<compile_context>
chip_gen: v7x
topology: tpu7x:2x2x1
jax: 0.10.2.dev20260603
libtpu: 0.0.44.dev20260713+nightly
codegen_flags: <defaults>
</compile_context>

<pallas_src>
import functools

import jax
import jax.numpy as jnp
from jax import lax
from jax.experimental import pallas as pl
from jax.experimental.pallas import tpu as pltpu
from jax.experimental.pallas import tpu_sc as plsc

N_TOKENS = 4608
D = 768
K = 1024
TB = 512


def _argmin_body(e_ref, x_ref, x2_ref, e2_ref, idx_ref, et_ref):
    @pl.when(pl.program_id(0) == 0)
    def _():
        et_ref[...] = jnp.transpose(e_ref[...], (1, 0))

    scores = lax.dot_general(
        x_ref[...].astype(jnp.bfloat16), et_ref[...].astype(jnp.bfloat16),
        (((1,), (0,)), ((), ())),
        preferred_element_type=jnp.float32,
    )
    d = (x2_ref[...][:, None] - 2.0 * scores) + e2_ref[...]
    m = jnp.min(d, axis=1, keepdims=True)
    col = lax.broadcasted_iota(jnp.int32, d.shape, 1)
    idx = jnp.min(jnp.where(d == m, col, K), axis=1)
    idx_ref[...] = idx.astype(jnp.int32)


def _argmin_indices(x_flat, x2, e2, embedding):
    out = pl.pallas_call(
        _argmin_body,
        grid=(N_TOKENS // TB,),
        in_specs=[
            pl.BlockSpec((K, D), lambda i: (0, 0)),
            pl.BlockSpec((TB, D), lambda i: (i, 0)),
            pl.BlockSpec((TB,), lambda i: (i,)),
            pl.BlockSpec((1, K), lambda i: (0, 0)),
        ],
        out_specs=pl.BlockSpec((TB,), lambda i: (i,)),
        out_shape=jax.ShapeDtypeStruct((N_TOKENS,), jnp.int32),
        scratch_shapes=[
            pltpu.VMEM((D, K), jnp.float32),
        ],
    )(embedding, x_flat, x2, e2)
    return out


def _make_gather():
    info = plsc.get_sparse_core_info()
    nc, ns = info.num_cores, info.num_subcores
    nw = nc * ns
    b_per_w = N_TOKENS // nw
    half = b_per_w // 2
    mesh = plsc.VectorSubcoreMesh(core_axis_name="c", subcore_axis_name="s")

    q = b_per_w // 3

    @functools.partial(
        pl.kernel,
        mesh=mesh,
        out_type=jax.ShapeDtypeStruct((N_TOKENS, D), jnp.float32),
        scratch_types=[
            pltpu.VMEM((b_per_w,), jnp.int32),
            pltpu.VMEM((q, D), jnp.float32),
            pltpu.VMEM((q, D), jnp.float32),
            pltpu.VMEM((q, D), jnp.float32),
            pltpu.SemaphoreType.DMA,
            pltpu.SemaphoreType.DMA,
            pltpu.SemaphoreType.DMA,
            pltpu.SemaphoreType.DMA,
            pltpu.SemaphoreType.DMA,
            pltpu.SemaphoreType.DMA,
        ],
    )
    def gather(table_hbm, idx_hbm, out_hbm, idx_v, b0, b1, b2,
               g0s, g1s, g2s, w0s, w1s, w2s):
        wid = lax.axis_index("s") * nc + lax.axis_index("c")
        base = wid * b_per_w
        pltpu.sync_copy(idx_hbm.at[pl.ds(base, b_per_w)], idx_v)
        bufs = (b0, b1, b2)
        gsems = (g0s, g1s, g2s)
        wsems = (w0s, w1s, w2s)
        gops = []
        for j in range(3):
            gops.append(pltpu.async_copy(
                table_hbm.at[idx_v.at[pl.ds(j * q, q)]], bufs[j], gsems[j]))
        wops = []
        for j in range(3):
            gops[j].wait()
            wops.append(pltpu.async_copy(
                bufs[j], out_hbm.at[pl.ds(base + j * q, q)], wsems[j]))
        for j in range(3):
            wops[j].wait()

    return gather


def kernel(x, embedding):
    B, T, _ = x.shape
    x_flat = x.reshape(B * T, D)
    x2 = jnp.sum(x_flat ** 2, axis=1)
    e2 = jnp.sum(embedding ** 2, axis=1)[None, :]
    idx = _argmin_indices(x_flat, x2, e2, embedding)
    quantized = _make_gather()(embedding, idx)
    return quantized.reshape(B, T, D)

# --- scband reference (transcript-rebuilt; emitter-appended) ---
"""Pipeline reference for scband-concept-graph-62740882260557 (READ-ONLY COPY).

The authoritative reference and input builder live on the scoring server;
editing this copy changes nothing except your own understanding.
"""

import jax, jax.numpy as jnp
import numpy as np

N_CONCEPTS = 1024
D_MODEL = 768

def setup_inputs(seed: int = 0) -> dict:
    key = jax.random.key(seed)
    k1, k2 = jax.random.split(key)
    x = jax.random.normal(k1, (8, 576, 768), dtype=jnp.float32)
    embedding = jax.random.normal(k2, (N_CONCEPTS, D_MODEL), dtype=jnp.float32)
    return {"x": x, "embedding": embedding}

def reference(x, embedding):
    B, T, D = x.shape
    K = embedding.shape[0]
    x_flat = x.reshape(B * T, D)
    distances = (jnp.sum(x_flat ** 2, axis=1, keepdims=True)
                 - 2.0 * (x_flat @ embedding.T)
                 + jnp.sum(embedding ** 2, axis=1))
    encoding_indices = jnp.argmin(distances, axis=1)
    encodings = jax.nn.one_hot(encoding_indices, K, dtype=x.dtype)
    quantized = encodings @ embedding
    # straight-through estimator
    quantized = x_flat + jax.lax.stop_gradient(quantized - x_flat)
    return quantized.reshape(B, T, D)

if __name__ == "__main__":
    import jax
    _d = setup_inputs()
    print(jax.jit(kernel)(*tuple(_d.values())))

</pallas_src>

<mosaic_0001>
#map = affine_map<(d0, d1) -> (0, 0)>
#map1 = affine_map<(d0, d1) -> (0)>
module attributes {stable_mosaic.version = 14 : i64} {
  func.func @gather(%arg0: i32, %arg1: i32, %arg2: memref<1024x768xf32, #tpu.memory_space<hbm>>, %arg3: memref<4608xi32, #tpu.memory_space<hbm>>, %arg4: memref<4608x768xf32, #tpu.memory_space<hbm>>, %arg5: memref<144xi32, #tpu.memory_space<vmem>>, %arg6: memref<48x768xf32, #tpu.memory_space<vmem>>, %arg7: memref<48x768xf32, #tpu.memory_space<vmem>>, %arg8: memref<48x768xf32, #tpu.memory_space<vmem>>, %arg9: memref<!tpu.dma_semaphore, #tpu.memory_space<semaphore_mem>>, %arg10: memref<!tpu.dma_semaphore, #tpu.memory_space<semaphore_mem>>, %arg11: memref<!tpu.dma_semaphore, #tpu.memory_space<semaphore_mem>>, %arg12: memref<!tpu.dma_semaphore, #tpu.memory_space<semaphore_mem>>, %arg13: memref<!tpu.dma_semaphore, #tpu.memory_space<semaphore_mem>>, %arg14: memref<!tpu.dma_semaphore, #tpu.memory_space<semaphore_mem>>) attributes {dimension_semantics = [#tpu.dimension_semantics<core_parallel>, #tpu.dimension_semantics<subcore_parallel>], iteration_bounds = array<i64: 2, 16>, scalar_prefetch = 0 : i64, scratch_operands = 10 : i64, tpu.core_type = #tpu.core_type<sc_vector_subcore>, window_params = [{transform_indices = #map}, {transform_indices = #map1}, {transform_indices = #map}]} {
    %mul3A = arith.constant 2 : i32
    %mul3A_0 = arith.muli %arg1, %mul3A : i32
    %add3A = arith.addi %mul3A_0, %arg0 : i32
    %mul3A_1 = arith.constant 144 : i32
    %mul3A_2 = arith.muli %add3A, %mul3A_1 : i32
    "tpu.region"() ({
      %run_scoped3A = tpu.sem_alloc : memref<!tpu.dma_semaphore, #tpu.memory_space<semaphore_mem>>
      %dma_start3A_61 = tpu.memref_slice %arg3[%mul3A_2] : memref<4608xi32, #tpu.memory_space<hbm>> -> memref<144xi32, #tpu.memory_space<hbm>>
      %dma_start3A_62 = tpu.memref_slice %arg3[%mul3A_2] : memref<4608xi32, #tpu.memory_space<hbm>> -> memref<144xi32, #tpu.memory_space<hbm>>
      tpu.enqueue_dma source(%dma_start3A_62 : memref<144xi32, #tpu.memory_space<hbm>>) target(%arg5 : memref<144xi32, #tpu.memory_space<vmem>>) target_semaphore(%run_scoped3A : memref<!tpu.dma_semaphore, #tpu.memory_space<semaphore_mem>>)
      %dma_wait3A_63 = tpu.memref_slice %arg3[%mul3A_2] : memref<4608xi32, #tpu.memory_space<hbm>> -> memref<144xi32, #tpu.memory_space<hbm>>
      %dma_wait3A_64 = tpu.memref_slice %arg3[%mul3A_2] : memref<4608xi32, #tpu.memory_space<hbm>> -> memref<144xi32, #tpu.memory_space<hbm>>
      tpu.wait_dma2 semaphore(%run_scoped3A : memref<!tpu.dma_semaphore, #tpu.memory_space<semaphore_mem>>) src(%dma_wait3A_64 : memref<144xi32, #tpu.memory_space<hbm>>) dst(%arg5 : memref<144xi32, #tpu.memory_space<vmem>>)
      tpu.yield
    }) : () -> ()
    %dma_start3A = arith.constant 0 : i32
    %dma_start3A_3 = tpu.memref_slice %arg5[%dma_start3A] : memref<144xi32, #tpu.memory_space<vmem>> -> memref<48xi32, #tpu.memory_space<vmem>>
    %dma_start3A_4 = arith.constant 0 : i32
    %dma_start3A_5 = arith.constant 0 : i32
    %dma_start3A_6 = tpu.memref_slice %arg2[%dma_start3A_4, %dma_start3A_5] : memref<1024x768xf32, #tpu.memory_space<hbm>> -> memref<1024x768xf32, #tpu.memory_space<hbm>>
    tpu.enqueue_indirect_dma source(%dma_start3A_6 : memref<1024x768xf32, #tpu.memory_space<hbm>>) target(%arg6 : memref<48x768xf32, #tpu.memory_space<vmem>>) offsets(%dma_start3A_3 : memref<48xi32, #tpu.memory_space<vmem>>) semaphore(%arg9 : memref<!tpu.dma_semaphore, #tpu.memory_space<semaphore_mem>>)
    %dma_start3A_7 = arith.constant 48 : i32
    %dma_start3A_8 = tpu.memref_slice %arg5[%dma_start3A_7] : memref<144xi32, #tpu.memory_space<vmem>> -> memref<48xi32, #tpu.memory_space<vmem>>
    %dma_start3A_9 = arith.constant 0 : i32
    %dma_start3A_10 = arith.constant 0 : i32
    %dma_start3A_11 = tpu.memref_slice %arg2[%dma_start3A_9, %dma_start3A_10] : memref<1024x768xf32, #tpu.memory_space<hbm>> -> memref<1024x768xf32, #tpu.memory_space<hbm>>
    tpu.enqueue_indirect_dma source(%dma_start3A_11 : memref<1024x768xf32, #tpu.memory_space<hbm>>) target(%arg7 : memref<48x768xf32, #tpu.memory_space<vmem>>) offsets(%dma_start3A_8 : memref<48xi32, #tpu.memory_space<vmem>>) semaphore(%arg10 : memref<!tpu.dma_semaphore, #tpu.memory_space<semaphore_mem>>)
    %dma_start3A_12 = arith.constant 96 : i32
    %dma_start3A_13 = tpu.memref_slice %arg5[%dma_start3A_12] : memref<144xi32, #tpu.memory_space<vmem>> -> memref<48xi32, #tpu.memory_space<vmem>>
    %dma_start3A_14 = arith.constant 0 : i32
    %dma_start3A_15 = arith.constant 0 : i32
    %dma_start3A_16 = tpu.memref_slice %arg2[%dma_start3A_14, %dma_start3A_15] : memref<1024x768xf32, #tpu.memory_space<hbm>> -> memref<1024x768xf32, #tpu.memory_space<hbm>>
    tpu.enqueue_indirect_dma source(%dma_start3A_16 : memref<1024x768xf32, #tpu.memory_space<hbm>>) target(%arg8 : memref<48x768xf32, #tpu.memory_space<vmem>>) offsets(%dma_start3A_13 : memref<48xi32, #tpu.memory_space<vmem>>) semaphore(%arg11 : memref<!tpu.dma_semaphore, #tpu.memory_space<semaphore_mem>>)
    %dma_wait3A = arith.constant 0 : i32
    %dma_wait3A_17 = tpu.memref_slice %arg5[%dma_wait3A] : memref<144xi32, #tpu.memory_space<vmem>> -> memref<48xi32, #tpu.memory_space<vmem>>
    %dma_wait3A_18 = arith.constant 0 : i32
    %dma_wait3A_19 = arith.constant 0 : i32
    %dma_wait3A_20 = tpu.memref_slice %arg2[%dma_wait3A_18, %dma_wait3A_19] : memref<1024x768xf32, #tpu.memory_space<hbm>> -> memref<1024x768xf32, #tpu.memory_space<hbm>>
    tpu.wait_indirect_dma semaphore(%arg9 : memref<!tpu.dma_semaphore, #tpu.memory_space<semaphore_mem>>) src(%dma_wait3A_20 : memref<1024x768xf32, #tpu.memory_space<hbm>>) dst(%arg6 : memref<48x768xf32, #tpu.memory_space<vmem>>)
    %add3A_21 = arith.constant 0 : i32
    %add3A_22 = arith.addi %mul3A_2, %add3A_21 : i32
    %dma_start3A_23 = arith.constant 0 : i32
    %dma_start3A_24 = tpu.memref_slice %arg4[%add3A_22, %dma_start3A_23] : memref<4608x768xf32, #tpu.memory_space<hbm>> -> memref<48x768xf32, #tpu.memory_space<hbm>>
    %dma_start3A_25 = arith.constant 0 : i32
    %dma_start3A_26 = tpu.memref_slice %arg4[%add3A_22, %dma_start3A_25] : memref<4608x768xf32, #tpu.memory_space<hbm>> -> memref<48x768xf32, #tpu.memory_space<hbm>>
    tpu.enqueue_dma source(%arg6 : memref<48x768xf32, #tpu.memory_space<vmem>>) target(%dma_start3A_26 : memref<48x768xf32, #tpu.memory_space<hbm>>) target_semaphore(%arg12 : memref<!tpu.dma_semaphore, #tpu.memory_space<semaphore_mem>>)
    %dma_wait3A_27 = arith.constant 48 : i32
    %dma_wait3A_28 = tpu.memref_slice %arg5[%dma_wait3A_27] : memref<144xi32, #tpu.memory_space<vmem>> -> memref<48xi32, #tpu.memory_space<vmem>>
    %dma_wait3A_29 = arith.constant 0 : i32
    %dma_wait3A_30 = arith.constant 0 : i32
    %dma_wait3A_31 = tpu.memref_slice %arg2[%dma_wait3A_29, %dma_wait3A_30] : memref<1024x768xf32, #tpu.memory_space<hbm>> -> memref<1024x768xf32, #tpu.memory_space<hbm>>
    tpu.wait_indirect_dma semaphore(%arg10 : memref<!tpu.dma_semaphore, #tpu.memory_space<semaphore_mem>>) src(%dma_wait3A_31 : memref<1024x768xf32, #tpu.memory_space<hbm>>) dst(%arg7 : memref<48x768xf32, #tpu.memory_space<vmem>>)
    %add3A_32 = arith.constant 48 : i32
    %add3A_33 = arith.addi %mul3A_2, %add3A_32 : i32
    %dma_start3A_34 = arith.constant 0 : i32
    %dma_start3A_35 = tpu.memref_slice %arg4[%add3A_33, %dma_start3A_34] : memref<4608x768xf32, #tpu.memory_space<hbm>> -> memref<48x768xf32, #tpu.memory_space<hbm>>
    %dma_start3A_36 = arith.constant 0 : i32
    %dma_start3A_37 = tpu.memref_slice %arg4[%add3A_33, %dma_start3A_36] : memref<4608x768xf32, #tpu.memory_space<hbm>> -> memref<48x768xf32, #tpu.memory_space<hbm>>
    tpu.enqueue_dma source(%arg7 : memref<48x768xf32, #tpu.memory_space<vmem>>) target(%dma_start3A_37 : memref<48x768xf32, #tpu.memory_space<hbm>>) target_semaphore(%arg13 : memref<!tpu.dma_semaphore, #tpu.memory_space<semaphore_mem>>)
    %dma_wait3A_38 = arith.constant 96 : i32
    %dma_wait3A_39 = tpu.memref_slice %arg5[%dma_wait3A_38] : memref<144xi32, #tpu.memory_space<vmem>> -> memref<48xi32, #tpu.memory_space<vmem>>
    %dma_wait3A_40 = arith.constant 0 : i32
    %dma_wait3A_41 = arith.constant 0 : i32
    %dma_wait3A_42 = tpu.memref_slice %arg2[%dma_wait3A_40, %dma_wait3A_41] : memref<1024x768xf32, #tpu.memory_space<hbm>> -> memref<1024x768xf32, #tpu.memory_space<hbm>>
    tpu.wait_indirect_dma semaphore(%arg11 : memref<!tpu.dma_semaphore, #tpu.memory_space<semaphore_mem>>) src(%dma_wait3A_42 : memref<1024x768xf32, #tpu.memory_space<hbm>>) dst(%arg8 : memref<48x768xf32, #tpu.memory_space<vmem>>)
    %add3A_43 = arith.constant 96 : i32
    %add3A_44 = arith.addi %mul3A_2, %add3A_43 : i32
    %dma_start3A_45 = arith.constant 0 : i32
    %dma_start3A_46 = tpu.memref_slice %arg4[%add3A_44, %dma_start3A_45] : memref<4608x768xf32, #tpu.memory_space<hbm>> -> memref<48x768xf32, #tpu.memory_space<hbm>>
    %dma_start3A_47 = arith.constant 0 : i32
    %dma_start3A_48 = tpu.memref_slice %arg4[%add3A_44, %dma_start3A_47] : memref<4608x768xf32, #tpu.memory_space<hbm>> -> memref<48x768xf32, #tpu.memory_space<hbm>>
    tpu.enqueue_dma source(%arg8 : memref<48x768xf32, #tpu.memory_space<vmem>>) target(%dma_start3A_48 : memref<48x768xf32, #tpu.memory_space<hbm>>) target_semaphore(%arg14 : memref<!tpu.dma_semaphore, #tpu.memory_space<semaphore_mem>>)
    %dma_wait3A_49 = arith.constant 0 : i32
    %dma_wait3A_50 = tpu.memref_slice %arg4[%add3A_22, %dma_wait3A_49] : memref<4608x768xf32, #tpu.memory_space<hbm>> -> memref<48x768xf32, #tpu.memory_space<hbm>>
    %dma_wait3A_51 = arith.constant 0 : i32
    %dma_wait3A_52 = tpu.memref_slice %arg4[%add3A_22, %dma_wait3A_51] : memref<4608x768xf32, #tpu.memory_space<hbm>> -> memref<48x768xf32, #tpu.memory_space<hbm>>
    tpu.wait_dma2 semaphore(%arg12 : memref<!tpu.dma_semaphore, #tpu.memory_space<semaphore_mem>>) src(%arg6 : memref<48x768xf32, #tpu.memory_space<vmem>>) dst(%dma_wait3A_52 : memref<48x768xf32, #tpu.memory_space<hbm>>)
    %dma_wait3A_53 = arith.constant 0 : i32
    %dma_wait3A_54 = tpu.memref_slice %arg4[%add3A_33, %dma_wait3A_53] : memref<4608x768xf32, #tpu.memory_space<hbm>> -> memref<48x768xf32, #tpu.memory_space<hbm>>
    %dma_wait3A_55 = arith.constant 0 : i32
    %dma_wait3A_56 = tpu.memref_slice %arg4[%add3A_33, %dma_wait3A_55] : memref<4608x768xf32, #tpu.memory_space<hbm>> -> memref<48x768xf32, #tpu.memory_space<hbm>>
    tpu.wait_dma2 semaphore(%arg13 : memref<!tpu.dma_semaphore, #tpu.memory_space<semaphore_mem>>) src(%arg7 : memref<48x768xf32, #tpu.memory_space<vmem>>) dst(%dma_wait3A_56 : memref<48x768xf32, #tpu.memory_space<hbm>>)
    %dma_wait3A_57 = arith.constant 0 : i32
    %dma_wait3A_58 = tpu.memref_slice %arg4[%add3A_44, %dma_wait3A_57] : memref<4608x768xf32, #tpu.memory_space<hbm>> -> memref<48x768xf32, #tpu.memory_space<hbm>>
    %dma_wait3A_59 = arith.constant 0 : i32
    %dma_wait3A_60 = tpu.memref_slice %arg4[%add3A_44, %dma_wait3A_59] : memref<4608x768xf32, #tpu.memory_space<hbm>> -> memref<48x768xf32, #tpu.memory_space<hbm>>
    tpu.wait_dma2 semaphore(%arg14 : memref<!tpu.dma_semaphore, #tpu.memory_space<semaphore_mem>>) src(%arg8 : memref<48x768xf32, #tpu.memory_space<vmem>>) dst(%dma_wait3A_60 : memref<48x768xf32, #tpu.memory_space<hbm>>)
    return
  }
}

module attributes {stable_mosaic.version = 14 : i64} {
  func.func @_argmin_body(%arg0: i32, %arg1: memref<1024x768xf32, #tpu.memory_space<vmem>>, %arg2: memref<512x768xf32, #tpu.memory_space<vmem>>, %arg3: memref<512xf32, #tpu.memory_space<vmem>>, %arg4: memref<1x1024xf32, #tpu.memory_space<vmem>>, %arg5: memref<512xi32, #tpu.memory_space<vmem>>, %arg6: memref<768x1024xf32, #tpu.memory_space<vmem>>) attributes {dimension_semantics = [#tpu.dimension_semantics<arbitrary>], iteration_bounds = array<i64: 9>, scalar_prefetch = 0 : i64, scratch_operands = 1 : i64, tpu.core_type = #tpu.core_type<tc>, window_params = [{pipeline_mode = #tpu.pipeline_mode<synchronous>, transform_indices = @transform_0, window_bounds = array<i64: 1024, 768>}, {transform_indices = @transform_1, window_bounds = array<i64: 512, 768>}, {transform_indices = @transform_2, window_bounds = array<i64: 512>}, {pipeline_mode = #tpu.pipeline_mode<synchronous>, transform_indices = @transform_3, window_bounds = array<i64: 1, 1024>}, {transform_indices = @transform_4, window_bounds = array<i64: 512>}]} {
    %eq3A = arith.constant 0 : i32
    %eq3A_0 = arith.cmpi eq, %arg0, %eq3A : i32
    %convert_element_type3A = arith.extui %eq3A_0 : i1 to i32
    %cond3A = arith.constant 0 : i32
    %cond3A_1 = arith.cmpi ne, %convert_element_type3A, %cond3A : i32
    scf.if %cond3A_1 {
      %get3A_27 = arith.constant 0 : index
      %get3A_28 = arith.constant 0 : index
      %get3A_29 = vector.load %arg1[%get3A_27, %get3A_28] : memref<1024x768xf32, #tpu.memory_space<vmem>>, vector<1024x768xf32>
      %transpose3A = tpu.transpose %get3A_29, [1, 0] : vector<1024x768xf32> -> vector<768x1024xf32>
      %swap3A_30 = arith.constant 0 : index
      %swap3A_31 = arith.constant 0 : index
      %swap3A_32 = vector.load %arg6[%swap3A_30, %swap3A_31] : memref<768x1024xf32, #tpu.memory_space<vmem>>, vector<768x1024xf32>
      tpu.vector_store %arg6[%swap3A_30, %swap3A_31], %transpose3A {strides = array<i32>} : memref<768x1024xf32, #tpu.memory_space<vmem>>, vector<768x1024xf32>,
    } else {
    }
    %get3A = arith.constant 0 : index
    %get3A_2 = arith.constant 0 : index
    %get3A_3 = vector.load %arg2[%get3A, %get3A_2] : memref<512x768xf32, #tpu.memory_space<vmem>>, vector<512x768xf32>
    %convert_element_type3A_4 = arith.truncf %get3A_3 : vector<512x768xf32> to vector<512x768xbf16>
    %get3A_5 = arith.constant 0 : index
    %get3A_6 = arith.constant 0 : index
    %get3A_7 = vector.load %arg6[%get3A_5, %get3A_6] : memref<768x1024xf32, #tpu.memory_space<vmem>>, vector<768x1024xf32>
    %convert_element_type3A_8 = arith.truncf %get3A_7 : vector<768x1024xf32> to vector<768x1024xbf16>
    %dot_general3A = arith.constant dense<0.000000e+00> : vector<512x1024xf32>
    %dot_general3A_9 = tpu.matmul %convert_element_type3A_4, %convert_element_type3A_8, %dot_general3A {dimension_numbers = #tpu.dot_dimension_numbers<[1], [0], [0], [1], [0, 0, 1, 1], [], []>, transpose_lhs_hint = false} : vector<512x768xbf16>, vector<768x1024xbf16>, vector<512x1024xf32> -> vector<512x1024xf32>
    %get3A_10 = arith.constant 0 : index
    %get3A_11 = vector.load %arg3[%get3A_10] : memref<512xf32, #tpu.memory_space<vmem>>, vector<512xf32>
    %broadcast_in_dim3A = vector.shape_cast %get3A_11 : vector<512xf32> to vector<512x1xf32>
    %mul3A = arith.constant 2.000000e+00 : f32
    %mul3A_12 = vector.broadcast %mul3A : f32 to vector<512x1024xf32>
    %mul3A_13 = arith.mulf %mul3A_12, %dot_general3A_9 : vector<512x1024xf32>
    %sub3A = vector.broadcast %broadcast_in_dim3A : vector<512x1xf32> to vector<512x1024xf32>
    %sub3A_14 = arith.subf %sub3A, %mul3A_13 : vector<512x1024xf32>
    %get3A_15 = arith.constant 0 : index
    %get3A_16 = arith.constant 0 : index
    %get3A_17 = vector.load %arg4[%get3A_15, %get3A_16] : memref<1x1024xf32, #tpu.memory_space<vmem>>, vector<1x1024xf32>
    %add3A = vector.broadcast %get3A_17 : vector<1x1024xf32> to vector<512x1024xf32>
    %add3A_18 = arith.addf %sub3A_14, %add3A : vector<512x1024xf32>
    %reduce_min3A = arith.constant dense<0x7F800000> : vector<512xf32>
    %reduce_min3A_19 = vector.multi_reduction <minimumf>, %add3A_18, %reduce_min3A [1] : vector<512x1024xf32> to vector<512xf32>
    %broadcast_in_dim3A_20 = vector.shape_cast %reduce_min3A_19 : vector<512xf32> to vector<512x1xf32>
    %iota3A = tpu.iota {dimensions = array<i32: 1>} : vector<512x1024xi32>
    %eq3A_21 = vector.broadcast %broadcast_in_dim3A_20 : vector<512x1xf32> to vector<512x1024xf32>
    %eq3A_22 = arith.cmpf oeq, %add3A_18, %eq3A_21 : vector<512x1024xf32>
    %jit3A = arith.constant 1024 : i32
    %broadcast_in_dim3A_23 = vector.broadcast %jit3A : i32 to vector<512x1024xi32>
    %select_n3A = arith.select %eq3A_22, %iota3A, %broadcast_in_dim3A_23 : vector<512x1024xi1>, vector<512x1024xi32>
    %reduce_min3A_24 = arith.constant dense<2147483647> : vector<512xi32>
    %reduce_min3A_25 = vector.multi_reduction <minsi>, %select_n3A, %reduce_min3A_24 [1] : vector<512x1024xi32> to vector<512xi32>
    %swap3A = arith.constant 0 : index
    %swap3A_26 = vector.load %arg5[%swap3A] : memref<512xi32, #tpu.memory_space<vmem>>, vector<512xi32>
    tpu.vector_store %arg5[%swap3A], %reduce_min3A_25 {strides = array<i32>} : memref<512xi32, #tpu.memory_space<vmem>>, vector<512xi32>,
    return
  }
  func.func @transform_0(%arg0: i32) -> (i32, i32) {
    %c0_i32 = arith.constant 0 : i32
    %c0_i32_0 = arith.constant 0 : i32
    %c0_i32_1 = arith.constant 0 : i32
    return %c0_i32, %c0_i32_0 : i32, i32
  }
  func.func @transform_1(%arg0: i32) -> (i32, i32) {
    %c0_i32 = arith.constant 0 : i32
    %c0_i32_0 = arith.constant 0 : i32
    return %arg0, %c0_i32 : i32, i32
  }
  func.func @transform_2(%arg0: i32) -> i32 {
    %c0_i32 = arith.constant 0 : i32
    return %arg0 : i32
  }
  func.func @transform_3(%arg0: i32) -> (i32, i32) {
    %c0_i32 = arith.constant 0 : i32
    %c0_i32_0 = arith.constant 0 : i32
    %c0_i32_1 = arith.constant 0 : i32
    return %c0_i32, %c0_i32_0 : i32, i32
  }
  func.func @transform_4(%arg0: i32) -> i32 {
    %c0_i32 = arith.constant 0 : i32
    return %arg0 : i32
  }
}

</mosaic_0001>

<sc_bundles>
// kernel: kernel.4.cloned.1.call-start
scs
__scs_entry_jumppad:
0x0: {  	(pc) =	sbr.rel $0x88, $3  }
0x1: {  	(tag) =	ssettag $0x0;
	lr =	simm.s32 $0x1  }
0x2: {  	[smem:$0x3F9F] =	sst lr;
	_ =	strace $0xD0000000  }
0x3: {  	_ = 	snop  }
0x4: {  	_ = 	snop  }
0x5: {  	_ = 	snop  }
0x6: {  	_ = 	snop  }
0x7: {  	_ = 	snop  }
__scs_overlays_trampoline_lowered:
0x8: {  	[smem:$0x3FAE] =	sst s0  }
0x9: {  	[smem:$0x3FAF] =	sst s1  }
0xa: {  	[smem:$0x3FB0] =	sst s2  }
0xb: {  	[smem:$0x3FB1] =	sst s3  }
0xc: {  	[smem:$0x3FB2] =	sst s4  }
0xd: {  	[smem:$0x3FB3] =	sst s5  }
0xe: {  	[smem:$0x3FB4] =	sst s6  }
0xf: {  	[smem:$0x3FB5] =	sst s7  }
0x10: {  	[smem:$0x3FB6] =	sst s8  }
0x11: {  	[smem:$0x3FB7] =	sst s9;
	s0 =	simm.s32 @!p0 $0x0  }
0x12: {  	s1 =	sld [smem:$0x3F9D];
	s0 =	simm.s32 @p0 $0x1  }
0x13: {  	[smem:$0x3FB8] =	sst s0;
	s0 =	simm.s32 @!p1 $0x0  }
0x14: {  	s2 =	sld [smem:$0x3F9C];
	s0 =	simm.s32 @p1 $0x1  }
0x15: {  	[smem:$0x3FB9] =	sst s0;
	s0 =	simm.s32 @!p2 $0x0  }
0x16: {  	s3 =	sld [smem:$0x3FDB];
	s0 =	simm.s32 @p2 $0x1  }
0x17: {  	s4 =	simm.s32 $0x1BF5;
	[smem:$0x3FBB] =	sst s0  }
0x18: {  	s0 =	sld [smem:$0x3F9E];
	_ =	swait.ge [sflag:s4], $0x0  }
0x19: {  	s7 =	sld [smem:$0x3F9F]  }
0x1a: {  	s8 =	sadd.s32 $0xFFFFE003, lr  }
0x1b: {  	s9 =	sadd.s32 $0xFFFFFEF7, lr;
	s5 =	simm.s32 $0xFFFFFFFF;
	p2 =	slt.u32 s8, $0xFFFFF086  }
0x1c: {  	p1 =	slt.u32 s9, $0xF7A;
	s5 =	simm.s32 @!p2 $0x0  }
0x1d: {  	s5 =	simm.s32 @p1 $0x1;
	p0 =	seq.s32 s7, s2  }
0x1e: {  	s7 =	smul.u32 @!p0 $0xF7A, s2;
	p2 =	seq.s32 @!p0 s5, $0x0  }
0x1f: {  	s9 =	smul.u32 $0xF7A, s1;
	s8 =	simm.s32 @!p0 $0x1BF5;
	p2 =	por !p2, p0  }
0x20: {  	[sflag:s8] =	ssyncset.s32 @!p0 $0xFFFFF086;
	s6 =	sadd.s32 @!p0 s3, s7;
	s7 =	simm.s32 @!p0 $0x108  }
0x21: {  	s3 =	sadd.s32 s3, s9;
	s6 =	sadd.s32 @!p0 $0x88, s6;
	s7 =	simm.s32 @p2 $0x1082  }
0x22: {  	[simem:s7], [sflag:s8] =	dma.local @!p0 [hbm:s6], $0xF7A  }
0x23: {  	s9 =	sor.u32 $0xD0000000, s2;
	s6 =	simm.s32 $0x108;
	_ =	swait.ge @!p0 [sflag:s8], $0x0  }
0x24: {  	s3 =	sadd.s32 $0x88, s3;
	s6 =	simm.s32 @!p1 $0x1082;
	[sflag:s4] =	ssyncset.s32 $0xFFFFF086  }
0x25: {  	[simem:s6], [sflag:s4] =	dma.local [hbm:s3], $0xF7A  }
0x26: {  	[smem:$0x3F9F] =	sst s1;
	(tag) =	ssettag s2;
	_ =	strace s9  }
0x27: {  	s1 =	sld [smem:$0x3FAF]  }
0x28: {  	s2 =	sld [smem:$0x3FB0]  }
0x29: {  	s4 =	sld [smem:$0x3FB2]  }
0x2a: {  	p0 =	seq.s32 s5, $0x0;
	s5 =	sld [smem:$0x3FB3]  }
0x2b: {  	s6 =	sld [smem:$0x3FB4]  }
0x2c: {  	s7 =	sld [smem:$0x3FB5]  }
0x2d: {  	s3 =	simm.s32 $0x108;
	s8 =	sld [smem:$0x3FB6]  }
0x2e: {  	s3 =	simm.s32 @!p0 $0x1082;
	s9 =	sld [smem:$0x3FB7]  }
0x2f: {  	lr =	sadd.s32 s0, s3;
	s0 =	sld [smem:$0x3FAE]  }
0x30: {  	s3 =	sld [smem:$0x3FB1]  }
0x31: {  	[smem:$0x3FBA] =	sst s10  }
0x32: {  	s10 =	sld [smem:$0x3FB8];
	_ =	sdelay $0x3  }
0x33: {  	p0 =	seq.s32 s10, $0x1;
	s10 =	sld [smem:$0x3FBA];
	_ =	sdelay $0x3  }
0x34: {  	[smem:$0x3FBA] =	sst s10  }
0x35: {  	s10 =	sld [smem:$0x3FB9];
	_ =	sdelay $0x3  }
0x36: {  	p1 =	seq.s32 s10, $0x1;
	s10 =	sld [smem:$0x3FBA];
	_ =	sdelay $0x3  }
0x37: {  	[smem:$0x3FBA] =	sst s10  }
0x38: {  	s10 =	sld [smem:$0x3FBB]  }
0x39: {  	_ = 	snop;
	(pc) =	sbr.ind lr, $3  }
0x3a: {  	_ = 	snop  }
0x3b: {  	_ = 	snop  }
0x3c: {  	p2 =	seq.s32 s10, $0x1;
	s10 =	sld [smem:$0x3FBA]  }
0x3d: {  	_ =	shalt  }
0x3e: {  	_ =	shalt  }
0x3f: {  	_ =	shalt  }
0x40: {  	_ =	shalt  }
0x41: {  	_ =	shalt  }
0x42: {  	_ =	shalt  }
0x43: {  	_ =	shalt  }
0x44: {  	_ =	shalt  }
0x45: {  	_ =	shalt  }
0x46: {  	_ =	shalt  }
0x47: {  	_ =	shalt  }
0x48: {  	_ =	shalt  }
0x49: {  	_ =	shalt  }
0x4a: {  	_ =	shalt  }
0x4b: {  	_ =	shalt  }
0x4c: {  	_ =	shalt  }
0x4d: {  	_ =	shalt  }
0x4e: {  	_ =	shalt  }
0x4f: {  	_ =	shalt  }
0x50: {  	_ =	shalt  }
0x51: {  	_ =	shalt  }
0x52: {  	_ =	shalt  }
0x53: {  	_ =	shalt  }
0x54: {  	_ =	shalt  }
0x55: {  	_ =	shalt  }
0x56: {  	_ =	shalt  }
0x57: {  	_ =	shalt  }
0x58: {  	_ =	shalt  }
0x59: {  	_ =	shalt  }
0x5a: {  	_ =	shalt  }
0x5b: {  	_ =	shalt  }
0x5c: {  	_ =	shalt  }
0x5d: {  	_ =	shalt  }
0x5e: {  	_ =	shalt  }
0x5f: {  	_ =	shalt  }
0x60: {  	_ =	shalt  }
0x61: {  	_ =	shalt  }
0x62: {  	_ =	shalt  }
0x63: {  	_ =	shalt  }
0x64: {  	_ =	shalt  }
0x65: {  	_ =	shalt  }
0x66: {  	_ =	shalt  }
0x67: {  	_ =	shalt  }
0x68: {  	_ =	shalt  }
0x69: {  	_ =	shalt  }
0x6a: {  	_ =	shalt  }
0x6b: {  	_ =	shalt  }
0x6c: {  	_ =	shalt  }
0x6d: {  	_ =	shalt  }
0x6e: {  	_ =	shalt  }
0x6f: {  	_ =	shalt  }
0x70: {  	_ =	shalt  }
0x71: {  	_ =	shalt  }
0x72: {  	_ =	shalt  }
0x73: {  	_ =	shalt  }
0x74: {  	_ =	shalt  }
0x75: {  	_ =	shalt  }
0x76: {  	_ =	shalt  }
0x77: {  	_ =	shalt  }
0x78: {  	_ =	shalt  }
0x79: {  	_ =	shalt  }
0x7a: {  	_ =	shalt  }
0x7b: {  	_ =	shalt  }
0x7c: {  	_ =	shalt  }
0x7d: {  	_ =	shalt  }
0x7e: {  	_ =	shalt  }
0x7f: {  	_ =	shalt  }
0x80: {  	_ =	shalt  }
0x81: {  	_ =	shalt  }
0x82: {  	_ =	shalt  }
0x83: {  	_ =	shalt  }
0x84: {  	_ =	shalt  }
0x85: {  	_ =	shalt  }
0x86: {  	_ =	shalt  }
0x87: {  	_ =	shalt  }
.Lfunc_end0:
.L_simem_size_0:
called_computation_lowered:
.L_overlay_start_0:
0x88: {  	s2 =	sld [smem:$0x3FD9]  }
0x89: {  	s3 =	sld [smem:$0x3FFE];
	_ =	sdelay $0x1  }
0x8a: {  	s1 =	srdreg.scid  }
0x8b: {  	s0 =	sand.u32 $0x1, s1  }
0x8c: {  	s17 =	sshll.u32 s0, $0xA;
	s2 =	sadd.s32 s3, s2  }
0x8d: {  	s2 =	sadd.s32 s2, s17  }
0x8e: {  	[smem:$0x3FC6] =	sst s2  }
0x8f: {  	_ = 	snop  }
0x90: {  	s2 =	sld [smem:$0x3FC8]  }
0x91: {  	s18 =	sld [smem:$0x3FD0];
	(tm) =	ssettm $0x1  }
0x92: {  	s4 =	sld [smem:$0x3FFB];
	_ =	sdelay $0x3  }
0x93: {  	_ =	strace s4  }
0x94: {  	s4 =	sld [smem:$0x3FFC];
	_ =	sdelay $0x3  }
0x95: {  	_ =	strace s4  }
0x96: {  	s4 =	sld [smem:$0x3FFD];
	_ =	sdelay $0x3  }
0x97: {  	_ =	strace s4  }
0x98: {  	_ =	strace $0x8FFFFFFF  }
0x99: {  	s19 =	sld [smem:$0x3FDB];
	_ =	sdelay $0x1  }
0x9a: {  	s5 =	simm.s32 $_scs_section_size  }
0x9b: {  	s6 =	simm.s32 $_size__tile_overlayer_lowered;
	s7 =	simm.s32 $_tile_overlayer_lowered  }
0x9c: {  	s22 =	simm.s32 $0x1BFF;
	s21 =	sshll.u32 s7, $0x1;
	s4 =	sadd.s32 s5, s19  }
0x9d: {  	s8 =	simm.s32 $0x0;
	s20 =	sshll.u32 s6, $0x1;
	s6 =	sadd.s32 s21, s4  }
0x9e: {  	[timem:s8], [sflag:s22] =	dma.local [hbm:s6], s20  }
0x9f: {  	_ =	swait.ge [sflag:s22], s20  }
0xa0: {  	s5 =	ssub.s32 $0x0, s20;
	[sflag:s22] =	ssyncset.done $0x0  }
0xa1: {  	[sflag:s22] =	ssyncadd.s32 s5;
	_ =	sdelay $0x1  }
0xa2: {  	s23 =	simm.s32 $0x1B8B  }
0xa3: {  	_ =	swait.ge [sflag:s23], $0x1  }
0xa4: {  	[sflag:s23] =	ssyncset.done $0x0  }
0xa5: {  	s25 =	simm.s32 $0x1B8E;
	s24 =	sld [smem:$0x3FFE];
	[sflag:s23] =	ssyncadd.s32 $0xFFFFFFFF  }
0xa6: {  	s26 =	simm.s32 $execute0_lowered;
	[smem:$0x3FD2] =	sst s25  }
0xa7: {  	s6 =	sshll.u32 s26, $0x1;
	_ =	strace $0x80000046;
	[dreg:$0x1] =	wrdreg $0xFFFFFFFF  }
0xa8: {  	s28 =	simm.s32 $_size_execute0_lowered;
	s4 =	sadd.s32 s4, s6;
	[dreg:$0x0] =	wrdreg $0x0  }
0xa9: {  	s6 =	sshll.u32 s28, $0x1;
	[dreg:$0x2] =	wrdreg s4  }
0xaa: {  	[dreg:$0x3] =	wrdreg s6  }
0xab: {  	[dreg:$0x4] =	wrdreg $0xC0  }
0xac: {  	_ =	task [dreg:s8], $0x5FFFF  }
0xad: {  	[dreg:$0x1] =	wrdreg $0xFFFFFFFF  }
0xae: {  	[dreg:$0x0] =	wrdreg $0x60  }
0xaf: {  	[dreg:$0x2] =	wrdreg s2  }
0xb0: {  	[dreg:$0x3] =	wrdreg s24  }
0xb1: {  	[dreg:$0x4] =	wrdreg s18  }
0xb2: {  	[dreg:$0x5] =	wrdreg $0x9  }
0xb3: {  	_ =	task.clear_ibuf [dreg:s8], $0x6FFFF;
	_ =	strace $0x90000046  }
0xb4: {  	s29 =	simm.s32 $0x9;
	_ =	strace $0x80000048  }
0xb5: {  	_ =	swait.ge [sflag:s29], $0x1  }
0xb6: {  	[sflag:s29] =	ssyncadd.s32 $0xFFFFFFFF  }
0xb7: {  	_ =	strace $0x90000048  }
0xb8: {  	_ =	sfence  }
0xb9: {  	s30 =	sld [smem:$0x0];
	_ =	sdelay $0x2  }
0xba: {  	s31 =	sshll.u32 s1, $0xD;
	s1 =	sshrl.u32 s1, $0x2  }
0xbb: {  	s3 =	sand.u32 $0x4000, s31;
	s1 =	sadd.s32 s1, s30  }
0xbc: {  	s0 =	sor.u32 s3, s0;
	s1 =	sshll.u32 s1, $0x11  }
0xbd: {  	s0 =	sor.u32 s1, s0  }
0xbe: {  	s0 =	sadd.s32 $0x8F2B, s0  }
0xbf: {  	[sflag:s0] =	ssyncadd.remote.s32 $0x1  }
0xc0: {  	_ =	sfence.sel $0xFFFF  }
0xc1: {  	[dreg:$0x0] =	wrdreg $0xFFFFFFFF;
	(pc) =	sbr.abs _section_cstart, $3  }
0xc2: {  	[dreg:$0x1] =	wrdreg $0xFFFFFFFF  }
0xc3: {  	_ =	task.clear_ibuf [dreg:s8], $0x2FFFF;
	_ =	strace $0x9FFFFFFF  }
0xc4: {  	(tm) =	ssettm $0x7FFFFFFF  }
0xc5: {  	_ =	shalt  }
tec
execute0_lowered:
.L_overlay_start_1:
0x0: {  	(tag) =	ssettag $0x1  }
0x1: {  	s1 =	srdreg.scid;
	s0 =	stileid.u32  }
0x2: {  	s1 =	sand.u32 $0x1, s1;
	s2 =	sshll.u32 s0, $0x1  }
0x3: {  	s3 =	sor.u32 s1, s2  }
0x4: {  	s4 =	rddreg [dreg:$0x1];
	s3 =	smul.u32 $0x90, s3  }
0x5: {  	s5 =	rddreg [dreg:$0x2]  }
0x6: {  	s2 =	rddreg [dreg:$0x0];
	s6 =	sshrl.u32 s3, $0x3;
	s3 =	simm.s32 $0x0  }
0x7: {  	s7 =	smul.u32 $0x300, s6;
	[smem:$0x7FF] =	sst s3;
	s6 =	sadd.s32 s4, s6  }
0x8: {  	s12 =	simm.s32 $0x900;
	_ =	strace $0x80000047;
	[dreg:$0x4] =	wrdreg s6  }
0x9: {  	s13 =	simm.s32 $0x1100;
	[dreg:$0x7] =	wrdreg s12  }
0xa: {  	s14 =	simm.s32 $0x1900;
	[dreg:$0x8] =	wrdreg s13  }
0xb: {  	s15 =	simm.s32 $0x2100;
	[dreg:$0x9] =	wrdreg s14  }
0xc: {  	s16 =	simm.s32 $0x2900;
	[dreg:$0xa] =	wrdreg s15  }
0xd: {  	s17 =	simm.s32 $0x3100;
	[dreg:$0xb] =	wrdreg s16  }
0xe: {  	s18 =	simm.s32 $0x3900;
	[dreg:$0xc] =	wrdreg s17  }
0xf: {  	s19 =	simm.s32 $0x4100;
	[dreg:$0xd] =	wrdreg s18  }
0x10: {  	s20 =	simm.s32 $0x4900;
	[dreg:$0xe] =	wrdreg s19  }
0x11: {  	s21 =	simm.s32 $0x5100;
	[dreg:$0xf] =	wrdreg s20  }
0x12: {  	s22 =	simm.s32 $0x5900;
	[dreg:$0x10] =	wrdreg s21  }
0x13: {  	s23 =	simm.s32 $0x6100;
	[dreg:$0x11] =	wrdreg s22  }
0x14: {  	s24 =	simm.s32 $0x6900;
	[dreg:$0x12] =	wrdreg s23  }
0x15: {  	s25 =	simm.s32 $0x7100;
	[dreg:$0x13] =	wrdreg s24  }
0x16: {  	s26 =	simm.s32 $0x7900;
	[dreg:$0x14] =	wrdreg s25  }
0x17: {  	s0 =	simm.s32 $0x8100;
	[dreg:$0x15] =	wrdreg s26  }
0x18: {  	s8 =	simm.s32 $0xA100;
	[dreg:$0x16] =	wrdreg s0  }
0x19: {  	s9 =	simm.s32 $0xA900;
	[dreg:$0x19] =	wrdreg s8  }
0x1a: {  	s10 =	simm.s32 $0xB100;
	[dreg:$0x1a] =	wrdreg s9  }
0x1b: {  	s6 =	simm.s32 $0x8900;
	[dreg:$0x1b] =	wrdreg s10  }
0x1c: {  	s12 =	simm.s32 $0xC100;
	[dreg:$0x17] =	wrdreg s6  }
0x1d: {  	s13 =	simm.s32 $0xC900;
	[dreg:$0x1d] =	wrdreg s12  }
0x1e: {  	s14 =	simm.s32 $0xD100;
	[dreg:$0x1e] =	wrdreg s13  }
0x1f: {  	s28 =	simm.s32 $0x2;
	s15 =	simm.s32 $0xD900;
	[dreg:$0x1f] =	wrdreg s14  }
0x20: {  	s29 =	simm.s32 $0x3;
	s16 =	simm.s32 $0xE100;
	[smem:$0x7F2] =	sst s15  }
0x21: {  	s30 =	simm.s32 $0x4;
	s17 =	simm.s32 $0xE900;
	[smem:$0x7F3] =	sst s16  }
0x22: {  	s31 =	simm.s32 $0x5;
	s19 =	simm.s32 $0xF100;
	[smem:$0x7F4] =	sst s17  }
0x23: {  	s1 =	ssub.s32 $0x2, s1;
	s20 =	simm.s32 $0xF900;
	[smem:$0x7F5] =	sst s19  }
0x24: {  	s18 =	sshrl.u32 s1, $0x1;
	s21 =	simm.s32 $0x10100;
	[smem:$0x7F6] =	sst s20  }
0x25: {  	s8 =	simm.s32 $0x10900;
	s22 =	simm.s32 $0x11100;
	[smem:$0x7F7] =	sst s21  }
0x26: {  	s23 =	simm.s32 $0x11900;
	s9 =	simm.s32 $0x100;
	[smem:$0x7F8] =	sst s8  }
0x27: {  	s24 =	simm.s32 $0x12900;
	s10 =	simm.s32 $0x9100;
	[smem:$0x7F9] =	sst s22  }
0x28: {  	s25 =	simm.s32 $0x13100;
	s26 =	simm.s32 $0x13900;
	[smem:$0x7FA] =	sst s23  }
0x29: {  	s4 =	sadd.s32 s5, s7;
	s7 =	simm.s32 $0x9900;
	[smem:$0x7FB] =	sst s24  }
0x2a: {  	s1 =	ssub.s32 s1, s18;
	s6 =	sadd.s32 $0x200, s2;
	[smem:$0x7FC] =	sst s25  }
0x2b: {  	s8 =	simm.s32 $0x7;
	[smem:$0x7FD] =	sst s26;
	s13 =	simm.s32 $0x14900  }
0x2c: {  	s14 =	simm.s32 $0x15100;
	s15 =	simm.s32 $0x15900;
	s16 =	simm.s32 $0x16100  }
0x2d: {  	s17 =	simm.s32 $0x16900;
	s18 =	simm.s32 $0x17100;
	s19 =	simm.s32 $0x17900  }
0x2e: {  	s20 =	simm.s32 $0x18100;
	s21 =	simm.s32 $0x18900;
	s22 =	simm.s32 $0x19100  }
0x2f: {  	s23 =	simm.s32 $0x19900;
	s24 =	simm.s32 $0x1A100;
	s25 =	simm.s32 $0x1A900  }
0x30: {  	s26 =	simm.s32 $0x1;
	s5 =	sadd.s32 $0x1200, s4;
	[dreg:$0x18] =	wrdreg s7  }
0x31: {  	v2 =	vlaneseq.u32;
	s11 =	sadd.s32 $0x2400, s4;
	s7 =	smax.u32 s1, $0x1;
	[dreg:$0x5] =	wrdreg s5  }
0x32: {  	vm0 =	vmmov $0xffff;
	v1 =	vshrl.u32 v2, $0x3;
	s1 =	simm.s32 $0x6;
	[dreg:$0x6] =	wrdreg s11;
	s11 =	simm.s32 $0xB900  }
0x33: {  	v0 =	vand.u32 $0x7, v2;
	v2 =	vor.u32 $0x8, v2;
	v1 =	vmul.u32 $0x8, v1;
	s5 =	sadd.s32 $0x100, s2;
	[dreg:$0x1c] =	wrdreg s11;
	s11 =	simm.s32 $0x12100  }
.LBB2_1:
0x34: {  	s0 =	rddreg [dreg:$0x4]  }
0x35: {  	[tilespmem:s3], [sflag:$0x7] =	stream.linear.gather [hbm4b:s0+s3], $0x90, $0x38;
	[tilespmem:$0x1B100] =	vst v63  }
0x36: {  	_ =	swait.ge [sflag:s8], $0x90  }
0x37: {  	[sflag:s8] =	ssyncset.done $0x0  }
0x38: {  	[sflag:s8] =	ssyncadd.s32 $0xFFFFFF70  }
0x39: {  	v3 =	vld [tilespmem:$0x0];
	_ =	sdelay $0x4  }
0x3a: {  	v4 =	vshrl.u32 v3, $0x3  }
0x3b: {  	v4 =	vmul.u32 $0x30, v4  }
0x3c: {  	v3 =	vand.u32 $0x7, v3  }
0x3d: {  	v3 =	vor.u32 v3, v4  }
0x3e: {  	v4 =	vperm.xlane v3, v0;
	_ =	sdelay $0x1  }
0x3f: {  	v4 =	vadd.s32 v1, v4;
	_ =	sdelay $0x3  }
0x40: {  	v3 =	vperm.xlane v3, v2  }
0x41: {  	[tilespmem:s9], [sflag:$0x1] =	stream.indirect_vreg.gather [hbm4b:s2+s3], $0x80, v4, vm0, $0xb8;
	[tilespmem:$0x1B100] =	vst v63  }
0x42: {  	s0 =	rddreg [dreg:$0x7];
	v3 =	vadd.s32 v1, v3  }
0x43: {  	[tilespmem:s0], [sflag:$0x1] =	stream.indirect_vreg.gather [hbm4b:s5+s3], $0x80, v4, vm0, $0xb8;
	[tilespmem:$0x1B100] =	vst v63  }
0x44: {  	s12 =	rddreg [dreg:$0x8]  }
0x45: {  	[tilespmem:s12], [sflag:$0x1] =	stream.indirect_vreg.gather [hbm4b:s6+s3], $0x80, v4, vm0, $0xb8;
	[tilespmem:$0x1B100] =	vst v63  }
0x46: {  	s0 =	rddreg [dreg:$0x9]  }
0x47: {  	[tilespmem:s0], [sflag:$0x1] =	stream.indirect_vreg.gather [hbm4b:s2+s3], $0x80, v3, vm0, $0xb8;
	[tilespmem:$0x1B100] =	vst v63  }
0x48: {  	s12 =	rddreg [dreg:$0xa]  }
0x49: {  	[tilespmem:s12], [sflag:$0x1] =	stream.indirect_vreg.gather [hbm4b:s5+s3], $0x80, v3, vm0, $0xb8;
	[tilespmem:$0x1B100] =	vst v63  }
0x4a: {  	s0 =	rddreg [dreg:$0xb]  }
0x4b: {  	[tilespmem:s0], [sflag:$0x1] =	stream.indirect_vreg.gather [hbm4b:s6+s3], $0x80, v3, vm0, $0xb8;
	[tilespmem:$0x1B100] =	vst v63  }
0x4c: {  	v3 =	vld [tilespmem:$0x10];
	_ =	sdelay $0x4  }
0x4d: {  	v56 =	vshrl.u32 v3, $0x3  }
0x4e: {  	v4 =	vmul.u32 $0x30, v56  }
0x4f: {  	v3 =	vand.u32 $0x7, v3  }
0x50: {  	v3 =	vor.u32 v3, v4  }
0x51: {  	v4 =	vperm.xlane v3, v0;
	_ =	sdelay $0x1  }
0x52: {  	v4 =	vadd.s32 v1, v4;
	_ =	sdelay $0x3  }
0x53: {  	s0 =	rddreg [dreg:$0xc];
	v3 =	vperm.xlane v3, v2  }
0x54: {  	[tilespmem:s0], [sflag:$0x1] =	stream.indirect_vreg.gather [hbm4b:s2+s3], $0x80, v4, vm0, $0xb8;
	[tilespmem:$0x1B100] =	vst v63  }
0x55: {  	s12 =	rddreg [dreg:$0xd];
	v3 =	vadd.s32 v1, v3  }
0x56: {  	[tilespmem:s12], [sflag:$0x1] =	stream.indirect_vreg.gather [hbm4b:s5+s3], $0x80, v4, vm0, $0xb8;
	[tilespmem:$0x1B100] =	vst v63  }
0x57: {  	s0 =	rddreg [dreg:$0xe]  }
0x58: {  	[tilespmem:s0], [sflag:$0x1] =	stream.indirect_vreg.gather [hbm4b:s6+s3], $0x80, v4, vm0, $0xb8;
	[tilespmem:$0x1B100] =	vst v63  }
0x59: {  	s12 =	rddreg [dreg:$0xf]  }
0x5a: {  	[tilespmem:s12], [sflag:$0x1] =	stream.indirect_vreg.gather [hbm4b:s2+s3], $0x80, v3, vm0, $0xb8;
	[tilespmem:$0x1B100] =	vst v63  }
0x5b: {  	s0 =	rddreg [dreg:$0x10]  }
0x5c: {  	[tilespmem:s0], [sflag:$0x1] =	stream.indirect_vreg.gather [hbm4b:s5+s3], $0x80, v3, vm0, $0xb8;
	[tilespmem:$0x1B100] =	vst v63  }
0x5d: {  	s12 =	rddreg [dreg:$0x11]  }
0x5e: {  	[tilespmem:s12], [sflag:$0x1] =	stream.indirect_vreg.gather [hbm4b:s6+s3], $0x80, v3, vm0, $0xb8;
	[tilespmem:$0x1B100] =	vst v63  }
0x5f: {  	v3 =	vld [tilespmem:$0x20];
	_ =	sdelay $0x4  }
0x60: {  	v57 =	vshrl.u32 v3, $0x3  }
0x61: {  	v4 =	vmul.u32 $0x30, v57  }
0x62: {  	v3 =	vand.u32 $0x7, v3  }
0x63: {  	v3 =	vor.u32 v3, v4  }
0x64: {  	v4 =	vperm.xlane v3, v0;
	_ =	sdelay $0x1  }
0x65: {  	v4 =	vadd.s32 v1, v4;
	_ =	sdelay $0x3  }
0x66: {  	s0 =	rddreg [dreg:$0x12];
	v3 =	vperm.xlane v3, v2  }
0x67: {  	[tilespmem:s0], [sflag:$0x1] =	stream.indirect_vreg.gather [hbm4b:s2+s3], $0x80, v4, vm0, $0xb8;
	[tilespmem:$0x1B100] =	vst v63  }
0x68: {  	s12 =	rddreg [dreg:$0x13];
	v3 =	vadd.s32 v1, v3  }
0x69: {  	[tilespmem:s12], [sflag:$0x1] =	stream.indirect_vreg.gather [hbm4b:s5+s3], $0x80, v4, vm0, $0xb8;
	[tilespmem:$0x1B100] =	vst v63  }
0x6a: {  	s0 =	rddreg [dreg:$0x14]  }
0x6b: {  	[tilespmem:s0], [sflag:$0x1] =	stream.indirect_vreg.gather [hbm4b:s6+s3], $0x80, v4, vm0, $0xb8;
	[tilespmem:$0x1B100] =	vst v63  }
0x6c: {  	s12 =	rddreg [dreg:$0x15]  }
0x6d: {  	[tilespmem:s12], [sflag:$0x1] =	stream.indirect_vreg.gather [hbm4b:s2+s3], $0x80, v3, vm0, $0xb8;
	[tilespmem:$0x1B100] =	vst v63  }
0x6e: {  	s0 =	rddreg [dreg:$0x16]  }
0x6f: {  	[tilespmem:s0], [sflag:$0x1] =	stream.indirect_vreg.gather [hbm4b:s5+s3], $0x80, v3, vm0, $0xb8;
	[tilespmem:$0x1B100] =	vst v63  }
0x70: {  	s12 =	rddreg [dreg:$0x17]  }
0x71: {  	[tilespmem:s12], [sflag:$0x1] =	stream.indirect_vreg.gather [hbm4b:s6+s3], $0x80, v3, vm0, $0xb8;
	[tilespmem:$0x1B100] =	vst v63  }
0x72: {  	v3 =	vld [tilespmem:$0x30];
	_ =	sdelay $0x4  }
0x73: {  	v58 =	vshrl.u32 v3, $0x3  }
0x74: {  	v4 =	vmul.u32 $0x30, v58  }
0x75: {  	v3 =	vand.u32 $0x7, v3  }
0x76: {  	v3 =	vor.u32 v3, v4  }
0x77: {  	v4 =	vperm.xlane v3, v0;
	_ =	sdelay $0x1  }
0x78: {  	v4 =	vadd.s32 v1, v4;
	_ =	sdelay $0x3  }
0x79: {  	v3 =	vperm.xlane v3, v2  }
0x7a: {  	[tilespmem:s10], [sflag:$0x2] =	stream.indirect_vreg.gather [hbm4b:s2+s3], $0x80, v4, vm0, $0xb8;
	[tilespmem:$0x1B100] =	vst v63  }
0x7b: {  	s0 =	rddreg [dreg:$0x18];
	v3 =	vadd.s32 v1, v3  }
0x7c: {  	[tilespmem:s0], [sflag:$0x2] =	stream.indirect_vreg.gather [hbm4b:s5+s3], $0x80, v4, vm0, $0xb8;
	[tilespmem:$0x1B100] =	vst v63  }
0x7d: {  	s12 =	rddreg [dreg:$0x19]  }
0x7e: {  	[tilespmem:s12], [sflag:$0x2] =	stream.indirect_vreg.gather [hbm4b:s6+s3], $0x80, v4, vm0, $0xb8;
	[tilespmem:$0x1B100] =	vst v63  }
0x7f: {  	s0 =	rddreg [dreg:$0x1a]  }
0x80: {  	[tilespmem:s0], [sflag:$0x2] =	stream.indirect_vreg.gather [hbm4b:s2+s3], $0x80, v3, vm0, $0xb8;
	[tilespmem:$0x1B100] =	vst v63  }
0x81: {  	s12 =	rddreg [dreg:$0x1b]  }
0x82: {  	[tilespmem:s12], [sflag:$0x2] =	stream.indirect_vreg.gather [hbm4b:s5+s3], $0x80, v3, vm0, $0xb8;
	[tilespmem:$0x1B100] =	vst v63  }
0x83: {  	s0 =	rddreg [dreg:$0x1c]  }
0x84: {  	[tilespmem:s0], [sflag:$0x2] =	stream.indirect_vreg.gather [hbm4b:s6+s3], $0x80, v3, vm0, $0xb8;
	[tilespmem:$0x1B100] =	vst v63  }
0x85: {  	v3 =	vld [tilespmem:$0x40];
	_ =	sdelay $0x4  }
0x86: {  	v59 =	vshrl.u32 v3, $0x3  }
0x87: {  	v4 =	vmul.u32 $0x30, v59  }
0x88: {  	v3 =	vand.u32 $0x7, v3  }
0x89: {  	v3 =	vor.u32 v3, v4  }
0x8a: {  	v4 =	vperm.xlane v3, v0;
	_ =	sdelay $0x1  }
0x8b: {  	v4 =	vadd.s32 v1, v4;
	_ =	sdelay $0x2  }
0x8c: {  	s12 =	rddreg [dreg:$0x1e]  }
0x8d: {  	s0 =	rddreg [dreg:$0x1d];
	v3 =	vperm.xlane v3, v2  }
0x8e: {  	[tilespmem:s0], [sflag:$0x2] =	stream.indirect_vreg.gather [hbm4b:s2+s3], $0x80, v4, vm0, $0xb8;
	[tilespmem:$0x1B100] =	vst v63  }
0x8f: {  	v3 =	vadd.s32 v1, v3;
	s0 =	rddreg [dreg:$0x1f]  }
0x90: {  	[tilespmem:s12], [sflag:$0x2] =	stream.indirect_vreg.gather [hbm4b:s5+s3], $0x80, v4, vm0, $0xb8;
	[tilespmem:$0x1B100] =	vst v63  }
0x91: {  	s12 =	sld [smem:$0x7F2]  }
0x92: {  	[tilespmem:s0], [sflag:$0x2] =	stream.indirect_vreg.gather [hbm4b:s6+s3], $0x80, v4, vm0, $0xb8;
	[tilespmem:$0x1B100] =	vst v63  }
0x93: {  	s0 =	sld [smem:$0x7F3]  }
0x94: {  	[tilespmem:s12], [sflag:$0x2] =	stream.indirect_vreg.gather [hbm4b:s2+s3], $0x80, v3, vm0, $0xb8;
	[tilespmem:$0x1B100] =	vst v63  }
0x95: {  	s12 =	sld [smem:$0x7F4]  }
0x96: {  	[tilespmem:s0], [sflag:$0x2] =	stream.indirect_vreg.gather [hbm4b:s5+s3], $0x80, v3, vm0, $0xb8;
	[tilespmem:$0x1B100] =	vst v63  }
0x97: {  	_ = 	snop  }
0x98: {  	[tilespmem:s12], [sflag:$0x2] =	stream.indirect_vreg.gather [hbm4b:s6+s3], $0x80, v3, vm0, $0xb8;
	[tilespmem:$0x1B100] =	vst v63  }
0x99: {  	v3 =	vld [tilespmem:$0x50];
	_ =	sdelay $0x4  }
0x9a: {  	v60 =	vshrl.u32 v3, $0x3  }
0x9b: {  	v4 =	vmul.u32 $0x30, v60  }
0x9c: {  	v3 =	vand.u32 $0x7, v3  }
0x9d: {  	v3 =	vor.u32 v3, v4  }
0x9e: {  	v4 =	vperm.xlane v3, v0;
	_ =	sdelay $0x1  }
0x9f: {  	v4 =	vadd.s32 v1, v4;
	_ =	sdelay $0x1  }
0xa0: {  	s0 =	sld [smem:$0x7F5];
	_ =	sdelay $0x1  }
0xa1: {  	s12 =	sld [smem:$0x7F6];
	v3 =	vperm.xlane v3, v2  }
0xa2: {  	[tilespmem:s0], [sflag:$0x2] =	stream.indirect_vreg.gather [hbm4b:s2+s3], $0x80, v4, vm0, $0xb8;
	[tilespmem:$0x1B100] =	vst v63  }
0xa3: {  	v3 =	vadd.s32 v1, v3;
	s0 =	sld [smem:$0x7F7]  }
0xa4: {  	[tilespmem:s12], [sflag:$0x2] =	stream.indirect_vreg.gather [hbm4b:s5+s3], $0x80, v4, vm0, $0xb8;
	[tilespmem:$0x1B100] =	vst v63  }
0xa5: {  	s12 =	sld [smem:$0x7F8]  }
0xa6: {  	[tilespmem:s0], [sflag:$0x2] =	stream.indirect_vreg.gather [hbm4b:s6+s3], $0x80, v4, vm0, $0xb8;
	[tilespmem:$0x1B100] =	vst v63  }
0xa7: {  	s0 =	sld [smem:$0x7F9]  }
0xa8: {  	[tilespmem:s12], [sflag:$0x2] =	stream.indirect_vreg.gather [hbm4b:s2+s3], $0x80, v3, vm0, $0xb8;
	[tilespmem:$0x1B100] =	vst v63  }
0xa9: {  	s12 =	sld [smem:$0x7FA]  }
0xaa: {  	[tilespmem:s0], [sflag:$0x2] =	stream.indirect_vreg.gather [hbm4b:s5+s3], $0x80, v3, vm0, $0xb8;
	[tilespmem:$0x1B100] =	vst v63  }
0xab: {  	_ = 	snop  }
0xac: {  	[tilespmem:s12], [sflag:$0x2] =	stream.indirect_vreg.gather [hbm4b:s6+s3], $0x80, v3, vm0, $0xb8;
	[tilespmem:$0x1B100] =	vst v63  }
0xad: {  	v3 =	vld [tilespmem:$0x60];
	_ =	sdelay $0x4  }
0xae: {  	v61 =	vshrl.u32 v3, $0x3  }
0xaf: {  	v4 =	vmul.u32 $0x30, v61  }
0xb0: {  	v3 =	vand.u32 $0x7, v3  }
0xb1: {  	v3 =	vor.u32 v3, v4  }
0xb2: {  	v4 =	vperm.xlane v3, v0;
	_ =	sdelay $0x1  }
0xb3: {  	v4 =	vadd.s32 v1, v4;
	_ =	sdelay $0x3  }
0xb4: {  	s0 =	sld [smem:$0x7FB];
	v3 =	vperm.xlane v3, v2  }
0xb5: {  	[tilespmem:s11], [sflag:$0x3] =	stream.indirect_vreg.gather [hbm4b:s2+s3], $0x80, v4, vm0, $0xb8;
	[tilespmem:$0x1B100] =	vst v63  }
0xb6: {  	s12 =	sld [smem:$0x7FC];
	v3 =	vadd.s32 v1, v3  }
0xb7: {  	[tilespmem:s0], [sflag:$0x3] =	stream.indirect_vreg.gather [hbm4b:s5+s3], $0x80, v4, vm0, $0xb8;
	[tilespmem:$0x1B100] =	vst v63  }
0xb8: {  	s0 =	sld [smem:$0x7FD]  }
0xb9: {  	[tilespmem:s12], [sflag:$0x3] =	stream.indirect_vreg.gather [hbm4b:s6+s3], $0x80, v4, vm0, $0xb8;
	[tilespmem:$0x1B100] =	vst v63  }
0xba: {  	_ = 	snop  }
0xbb: {  	[tilespmem:s0], [sflag:$0x3] =	stream.indirect_vreg.gather [hbm4b:s2+s3], $0x80, v3, vm0, $0xb8;
	[tilespmem:$0x1B100] =	vst v63  }
0xbc: {  	s12 =	simm.s32 $0x14100  }
0xbd: {  	[tilespmem:s12], [sflag:$0x3] =	stream.indirect_vreg.gather [hbm4b:s5+s3], $0x80, v3, vm0, $0xb8;
	[tilespmem:$0x1B100] =	vst v63  }
0xbe: {  	_ = 	snop  }
0xbf: {  	[tilespmem:s13], [sflag:$0x3] =	stream.indirect_vreg.gather [hbm4b:s6+s3], $0x80, v3, vm0, $0xb8;
	[tilespmem:$0x1B100] =	vst v63  }
0xc0: {  	v3 =	vld [tilespmem:$0x70];
	_ =	sdelay $0x4  }
0xc1: {  	v62 =	vshrl.u32 v3, $0x3  }
0xc2: {  	v4 =	vmul.u32 $0x30, v62  }
0xc3: {  	v3 =	vand.u32 $0x7, v3  }
0xc4: {  	v3 =	vor.u32 v3, v4  }
0xc5: {  	v4 =	vperm.xlane v3, v0;
	_ =	sdelay $0x1  }
0xc6: {  	v4 =	vadd.s32 v1, v4;
	_ =	sdelay $0x3  }
0xc7: {  	v3 =	vperm.xlane v3, v2  }
0xc8: {  	[tilespmem:s14], [sflag:$0x3] =	stream.indirect_vreg.gather [hbm4b:s2+s3], $0x80, v4, vm0, $0xb8;
	[tilespmem:$0x1B100] =	vst v63  }
0xc9: {  	v3 =	vadd.s32 v1, v3  }
0xca: {  	[tilespmem:s15], [sflag:$0x3] =	stream.indirect_vreg.gather [hbm4b:s5+s3], $0x80, v4, vm0, $0xb8;
	[tilespmem:$0x1B100] =	vst v63  }
0xcb: {  	_ = 	snop  }
0xcc: {  	[tilespmem:s16], [sflag:$0x3] =	stream.indirect_vreg.gather [hbm4b:s6+s3], $0x80, v4, vm0, $0xb8;
	[tilespmem:$0x1B100] =	vst v63  }
0xcd: {  	_ = 	snop  }
0xce: {  	[tilespmem:s17], [sflag:$0x3] =	stream.indirect_vreg.gather [hbm4b:s2+s3], $0x80, v3, vm0, $0xb8;
	[tilespmem:$0x1B100] =	vst v63  }
0xcf: {  	_ = 	snop  }
0xd0: {  	[tilespmem:s18], [sflag:$0x3] =	stream.indirect_vreg.gather [hbm4b:s5+s3], $0x80, v3, vm0, $0xb8;
	[tilespmem:$0x1B100] =	vst v63  }
0xd1: {  	_ = 	snop  }
0xd2: {  	[tilespmem:s19], [sflag:$0x3] =	stream.indirect_vreg.gather [hbm4b:s6+s3], $0x80, v3, vm0, $0xb8;
	[tilespmem:$0x1B100] =	vst v63  }
0xd3: {  	v3 =	vld [tilespmem:$0x80];
	_ =	sdelay $0x4  }
0xd4: {  	v63 =	vshrl.u32 v3, $0x3  }
0xd5: {  	v4 =	vmul.u32 $0x30, v63  }
0xd6: {  	v3 =	vand.u32 $0x7, v3  }
0xd7: {  	v3 =	vor.u32 v3, v4  }
0xd8: {  	v4 =	vperm.xlane v3, v0;
	_ =	sdelay $0x1  }
0xd9: {  	v4 =	vadd.s32 v1, v4;
	_ =	sdelay $0x3  }
0xda: {  	v3 =	vperm.xlane v3, v2  }
0xdb: {  	[tilespmem:s20], [sflag:$0x3] =	stream.indirect_vreg.gather [hbm4b:s2+s3], $0x80, v4, vm0, $0xb8;
	[tilespmem:$0x1B100] =	vst v63  }
0xdc: {  	v3 =	vadd.s32 v1, v3  }
0xdd: {  	[tilespmem:s21], [sflag:$0x3] =	stream.indirect_vreg.gather [hbm4b:s5+s3], $0x80, v4, vm0, $0xb8;
	[tilespmem:$0x1B100] =	vst v63  }
0xde: {  	_ = 	snop  }
0xdf: {  	[tilespmem:s22], [sflag:$0x3] =	stream.indirect_vreg.gather [hbm4b:s6+s3], $0x80, v4, vm0, $0xb8;
	[tilespmem:$0x1B100] =	vst v63  }
0xe0: {  	_ = 	snop  }
0xe1: {  	[tilespmem:s23], [sflag:$0x3] =	stream.indirect_vreg.gather [hbm4b:s2+s3], $0x80, v3, vm0, $0xb8;
	[tilespmem:$0x1B100] =	vst v63  }
0xe2: {  	_ = 	snop  }
0xe3: {  	[tilespmem:s24], [sflag:$0x3] =	stream.indirect_vreg.gather [hbm4b:s5+s3], $0x80, v3, vm0, $0xb8;
	[tilespmem:$0x1B100] =	vst v63  }
0xe4: {  	_ = 	snop  }
0xe5: {  	[tilespmem:s25], [sflag:$0x3] =	stream.indirect_vreg.gather [hbm4b:s6+s3], $0x80, v3, vm0, $0xb8;
	[tilespmem:$0x1B100] =	vst v63  }
0xe6: {  	_ =	swait.ge [sflag:s26], $0x9000  }
0xe7: {  	[sflag:s26] =	ssyncset.done $0x0  }
0xe8: {  	[sflag:s26] =	ssyncadd.s32 $0xFFFF7000  }
0xe9: {  	[hbm4b:s4+s3] =	stream.linear.scatter [tilespmem:s9], [sflag:$0x4], $0x9000, $0x38;
	[tilespmem:$0x1B100] =	vst v63  }
0xea: {  	_ =	swait.ge [sflag:s28], $0x9000  }
0xeb: {  	[sflag:s28] =	ssyncset.done $0x0  }
0xec: {  	s12 =	rddreg [dreg:$0x5];
	[sflag:s28] =	ssyncadd.s32 $0xFFFF7000  }
0xed: {  	[hbm4b:s12+s3] =	stream.linear.scatter [tilespmem:s10], [sflag:$0x5], $0x9000, $0x38;
	[tilespmem:$0x1B100] =	vst v63  }
0xee: {  	_ =	swait.ge [sflag:s29], $0x9000  }
0xef: {  	[sflag:s29] =	ssyncset.done $0x0  }
0xf0: {  	s12 =	rddreg [dreg:$0x6];
	[sflag:s29] =	ssyncadd.s32 $0xFFFF7000  }
0xf1: {  	[hbm4b:s12+s3] =	stream.linear.scatter [tilespmem:s11], [sflag:$0x6], $0x9000, $0x38;
	[tilespmem:$0x1B100] =	vst v63  }
0xf2: {  	_ =	swait.ge [sflag:s30], $0x9000  }
0xf3: {  	[sflag:s30] =	ssyncset.done $0x0  }
0xf4: {  	[sflag:s30] =	ssyncadd.s32 $0xFFFF7000  }
0xf5: {  	p0 =	sne.s32 s7, $0x1;
	_ =	swait.ge [sflag:s31], $0x9000  }
.Ltmp0:
0xf6: {  	[sflag:s31] =	ssyncset.done $0x0;
	(pc) =	sbr.rel @p0 .LBB2_1-.Ltmp0, $4  }
0xf7: {  	[sflag:s31] =	ssyncadd.s32 $0xFFFF7000  }
0xf8: {  	_ =	swait.ge [sflag:s1], $0x9000  }
0xf9: {  	[sflag:s1] =	ssyncset.done $0x0  }
0xfa: {  	s7 =	sadd.s32 $0xFFFFFFFF, s7;
	[sflag:s1] =	ssyncadd.s32 $0xFFFF7000  }
0xfb: {  	_ =	sfence.sel $0x180000  }
0xfc: {  	[bflag:$0x0] =	sbarrier.arrive $0xFFFF  }
0xfd: {  	_ =	strace $0x90000047  }
0xfe: {  	s0 =	stileid.u32;
	[bflag:$0x2] =	sbarrier.arrive $0xFFFF  }
0xff: {  	p0 =	sne.s32 s0, $0x0;
	s0 =	rddreg [dreg:$0x3]  }
0x100: {  	s0 =	sadd.s32 @!p0 $0x100000, s0  }
0x101: {  	[sflag:s0] =	ssyncadd.tile.s32 @!p0 $0x1;
	_ =	shalt  }
.Lfunc_end2:
_tile_overlayer_lowered:
.L_overlay_start_2:
0x102: {  	(tag) =	ssettag $0x2  }
0x103: {  	s0 =	rddreg [dreg:$0x0];
	s2 =	stileid.u32  }
0x104: {  	s1 =	rddreg [dreg:$0x1];
	p0 =	sne.s32 s2, $0x0  }
0x105: {  	s3 =	rddreg [dreg:$0x2];
	[bflag:$0x3] =	sbarrier.arrive $0xFFFF;
	s2 =	simm.s32 @!p0 $0x1C07  }
0x106: {  	[timem:s3], [sflag:s2] =	dma.local @!p0 [hbm:s0], s1  }
0x107: {  	s0 =	simm.s32 @!p0 $0x7  }
0x108: {  	_ =	swait.ge @!p0 [sflag:s0], s1  }
0x109: {  	s1 =	ssub.s32 @!p0 $0x0, s1;
	[sflag:s0] =	ssyncset.done @!p0 $0x0  }
0x10a: {  	[sflag:s0] =	ssyncadd.s32 @!p0 s1  }
0x10b: {  	[bflag:$0x3] =	sbarrier.arrive $0xFFFF  }
0x10c: {  	_ =	shalt  }

</sc_bundles>
